<compile_context>
chip_gen: v7x
topology: tpu7x:2x2x1
jax: 0.10.2.dev20260603
libtpu: 0.0.44.dev20260713+nightly
codegen_flags: <defaults>
</compile_context>

<pallas_src>
import functools

import jax
import jax.numpy as jnp
from jax import lax
from jax.experimental import pallas as pl
from jax.experimental.pallas import tpu as pltpu
from jax.experimental.pallas import tpu_sc as plsc

SEQ = 8192
D = 64
NC = 2
NS = 16
NW = NC * NS
BPW = SEQ // NW
HALF = BPW // 2
LANES = 16

_mesh = plsc.VectorSubcoreMesh(core_axis_name="c", subcore_axis_name="s")


@functools.partial(
    pl.kernel,
    mesh=_mesh,
    out_type=jax.ShapeDtypeStruct((SEQ, D), jnp.float32),
    compiler_params=pltpu.CompilerParams(use_tc_tiling_on_sc=False),
    scratch_types=[
        pltpu.VMEM((2, HALF), jnp.int32),
        pltpu.VMEM((BPW, D), jnp.float32),
        pltpu.VMEM((BPW, D), jnp.float32),
        pltpu.SemaphoreType.DMA,
    ],
)
def _emb(x_hbm, tok_hbm, pos_hbm, out_hbm, idx_v, rows_v, pos_v, sem):
    wid = lax.axis_index("s") * NC + lax.axis_index("c")
    base = wid * BPW

    pltpu.sync_copy(x_hbm.at[pl.ds(base, HALF)], idx_v.at[0])
    pltpu.sync_copy(x_hbm.at[pl.ds(base + HALF, HALF)], idx_v.at[1])

    cp0 = pltpu.async_copy(tok_hbm.at[idx_v.at[0]], rows_v.at[pl.ds(0, HALF)], sem)
    cp1 = pltpu.async_copy(tok_hbm.at[idx_v.at[1]], rows_v.at[pl.ds(HALF, HALF)], sem)
    pltpu.sync_copy(pos_hbm.at[pl.ds(SEQ - base - BPW, BPW)], pos_v)
    cp0.wait()
    cp1.wait()

    def body(j, carry):
        r = BPW - 1 - j
        for c in range(D // LANES):
            rows_v[j, pl.ds(c * LANES, LANES)] += pos_v[r, pl.ds(c * LANES, LANES)]
        return carry

    lax.fori_loop(0, BPW, body, 0)

    pltpu.sync_copy(rows_v, out_hbm.at[pl.ds(base, BPW)])


def kernel(x, token_table, pos_table):
    return _emb(x.astype(jnp.int32), token_table, pos_table)

# --- scband reference (transcript-rebuilt; emitter-appended) ---
"""Pipeline reference for scband-sequence-embedding-12086037971233 (READ-ONLY COPY).

The authoritative reference and input builder live on the scoring server;
editing this copy changes nothing except your own understanding.
"""

import jax, jax.numpy as jnp
import numpy as np

VOCAB = 1000000
EMBED_DIM = 64
MAX_CTX = 8192
SEQ_LEN = 8192

def setup_inputs(seed: int = 0) -> dict:
    key = jax.random.key(seed)
    k1, k2, k3 = jax.random.split(key, 3)
    x = jax.random.randint(k1, (SEQ_LEN,), 0, VOCAB, dtype=jnp.int64 if jax.config.jax_enable_x64 else jnp.int32)
    token_table = jax.random.normal(k2, (VOCAB, EMBED_DIM), dtype=jnp.float32) * 0.02
    pos_table = jax.random.normal(k3, (MAX_CTX, EMBED_DIM), dtype=jnp.float32) * 0.02
    return {"x": x, "token_table": token_table, "pos_table": pos_table}

def reference(x, token_table, pos_table):
    # pos = arange(len(x)) reversed, as in the flax module
    pos = jnp.arange(x.shape[0])[::-1]
    token_embedding = jnp.take(token_table, x, axis=0)
    position_embedding = jnp.take(pos_table, pos, axis=0)
    return token_embedding + position_embedding

if __name__ == "__main__":
    import jax
    _d = setup_inputs()
    print(jax.jit(kernel)(*tuple(_d.values())))

</pallas_src>

<mosaic_0001>
#map = affine_map<(d0, d1) -> (0)>
#map1 = affine_map<(d0, d1) -> (0, 0)>
module attributes {stable_mosaic.version = 14 : i64} {
  func.func @_emb(%arg0: i32, %arg1: i32, %arg2: memref<8192xi32, #tpu.memory_space<hbm>>, %arg3: memref<1000000x64xf32, #tpu.memory_space<hbm>>, %arg4: memref<8192x64xf32, #tpu.memory_space<hbm>>, %arg5: memref<8192x64xf32, #tpu.memory_space<hbm>>, %arg6: memref<2x128xi32, #tpu.memory_space<vmem>>, %arg7: memref<256x64xf32, #tpu.memory_space<vmem>>, %arg8: memref<256x64xf32, #tpu.memory_space<vmem>>, %arg9: memref<!tpu.dma_semaphore, #tpu.memory_space<semaphore_mem>>) attributes {dimension_semantics = [#tpu.dimension_semantics<core_parallel>, #tpu.dimension_semantics<subcore_parallel>], iteration_bounds = array<i64: 2, 16>, scalar_prefetch = 0 : i64, scratch_operands = 4 : i64, tpu.core_type = #tpu.core_type<sc_vector_subcore>, window_params = [{transform_indices = #map}, {transform_indices = #map1}, {transform_indices = #map1}, {transform_indices = #map1}]} {
    %mul3A = arith.constant 2 : i32
    %mul3A_0 = arith.muli %arg1, %mul3A : i32
    %add3A = arith.addi %mul3A_0, %arg0 : i32
    %mul3A_1 = arith.constant 256 : i32
    %mul3A_2 = arith.muli %add3A, %mul3A_1 : i32
    %run_scoped3A = arith.constant 0 : i32
    "tpu.region"() ({
      %run_scoped3A_52 = tpu.sem_alloc : memref<!tpu.dma_semaphore, #tpu.memory_space<semaphore_mem>>
      %dma_start3A_53 = arith.constant 0 : i32
      %dma_start3A_54 = tpu.memref_slice %arg6[%run_scoped3A, %dma_start3A_53] : memref<2x128xi32, #tpu.memory_space<vmem>> -> memref<1x128xi32, #tpu.memory_space<vmem>>
      %dma_start3A_55 = tpu.memref_squeeze %dma_start3A_54 : memref<1x128xi32, #tpu.memory_space<vmem>> -> memref<128xi32, #tpu.memory_space<vmem>>
      %dma_start3A_56 = tpu.memref_slice %arg2[%mul3A_2] : memref<8192xi32, #tpu.memory_space<hbm>> -> memref<128xi32, #tpu.memory_space<hbm>>
      %dma_start3A_57 = arith.constant 0 : i32
      %dma_start3A_58 = tpu.memref_slice %arg6[%run_scoped3A, %dma_start3A_57] : memref<2x128xi32, #tpu.memory_space<vmem>> -> memref<1x128xi32, #tpu.memory_space<vmem>>
      %dma_start3A_59 = tpu.memref_squeeze %dma_start3A_58 : memref<1x128xi32, #tpu.memory_space<vmem>> -> memref<128xi32, #tpu.memory_space<vmem>>
      %dma_start3A_60 = tpu.memref_slice %arg2[%mul3A_2] : memref<8192xi32, #tpu.memory_space<hbm>> -> memref<128xi32, #tpu.memory_space<hbm>>
      tpu.enqueue_dma source(%dma_start3A_60 : memref<128xi32, #tpu.memory_space<hbm>>) target(%dma_start3A_59 : memref<128xi32, #tpu.memory_space<vmem>>) target_semaphore(%run_scoped3A_52 : memref<!tpu.dma_semaphore, #tpu.memory_space<semaphore_mem>>)
      %dma_wait3A_61 = arith.constant 0 : i32
      %dma_wait3A_62 = tpu.memref_slice %arg6[%run_scoped3A, %dma_wait3A_61] : memref<2x128xi32, #tpu.memory_space<vmem>> -> memref<1x128xi32, #tpu.memory_space<vmem>>
      %dma_wait3A_63 = tpu.memref_squeeze %dma_wait3A_62 : memref<1x128xi32, #tpu.memory_space<vmem>> -> memref<128xi32, #tpu.memory_space<vmem>>
      %dma_wait3A_64 = tpu.memref_slice %arg2[%mul3A_2] : memref<8192xi32, #tpu.memory_space<hbm>> -> memref<128xi32, #tpu.memory_space<hbm>>
      %dma_wait3A_65 = arith.constant 0 : i32
      %dma_wait3A_66 = tpu.memref_slice %arg6[%run_scoped3A, %dma_wait3A_65] : memref<2x128xi32, #tpu.memory_space<vmem>> -> memref<1x128xi32, #tpu.memory_space<vmem>>
      %dma_wait3A_67 = tpu.memref_squeeze %dma_wait3A_66 : memref<1x128xi32, #tpu.memory_space<vmem>> -> memref<128xi32, #tpu.memory_space<vmem>>
      %dma_wait3A_68 = tpu.memref_slice %arg2[%mul3A_2] : memref<8192xi32, #tpu.memory_space<hbm>> -> memref<128xi32, #tpu.memory_space<hbm>>
      tpu.wait_dma2 semaphore(%run_scoped3A_52 : memref<!tpu.dma_semaphore, #tpu.memory_space<semaphore_mem>>) src(%dma_wait3A_68 : memref<128xi32, #tpu.memory_space<hbm>>) dst(%dma_wait3A_67 : memref<128xi32, #tpu.memory_space<vmem>>)
      tpu.yield
    }) : () -> ()
    %add3A_3 = arith.constant 128 : i32
    %add3A_4 = arith.addi %mul3A_2, %add3A_3 : i32
    %run_scoped3A_5 = arith.constant 1 : i32
    "tpu.region"() ({
      %run_scoped3A_52 = tpu.sem_alloc : memref<!tpu.dma_semaphore, #tpu.memory_space<semaphore_mem>>
      %dma_start3A_53 = arith.constant 0 : i32
      %dma_start3A_54 = tpu.memref_slice %arg6[%run_scoped3A_5, %dma_start3A_53] : memref<2x128xi32, #tpu.memory_space<vmem>> -> memref<1x128xi32, #tpu.memory_space<vmem>>
      %dma_start3A_55 = tpu.memref_squeeze %dma_start3A_54 : memref<1x128xi32, #tpu.memory_space<vmem>> -> memref<128xi32, #tpu.memory_space<vmem>>
      %dma_start3A_56 = tpu.memref_slice %arg2[%add3A_4] : memref<8192xi32, #tpu.memory_space<hbm>> -> memref<128xi32, #tpu.memory_space<hbm>>
      %dma_start3A_57 = arith.constant 0 : i32
      %dma_start3A_58 = tpu.memref_slice %arg6[%run_scoped3A_5, %dma_start3A_57] : memref<2x128xi32, #tpu.memory_space<vmem>> -> memref<1x128xi32, #tpu.memory_space<vmem>>
      %dma_start3A_59 = tpu.memref_squeeze %dma_start3A_58 : memref<1x128xi32, #tpu.memory_space<vmem>> -> memref<128xi32, #tpu.memory_space<vmem>>
      %dma_start3A_60 = tpu.memref_slice %arg2[%add3A_4] : memref<8192xi32, #tpu.memory_space<hbm>> -> memref<128xi32, #tpu.memory_space<hbm>>
      tpu.enqueue_dma source(%dma_start3A_60 : memref<128xi32, #tpu.memory_space<hbm>>) target(%dma_start3A_59 : memref<128xi32, #tpu.memory_space<vmem>>) target_semaphore(%run_scoped3A_52 : memref<!tpu.dma_semaphore, #tpu.memory_space<semaphore_mem>>)
      %dma_wait3A_61 = arith.constant 0 : i32
      %dma_wait3A_62 = tpu.memref_slice %arg6[%run_scoped3A_5, %dma_wait3A_61] : memref<2x128xi32, #tpu.memory_space<vmem>> -> memref<1x128xi32, #tpu.memory_space<vmem>>
      %dma_wait3A_63 = tpu.memref_squeeze %dma_wait3A_62 : memref<1x128xi32, #tpu.memory_space<vmem>> -> memref<128xi32, #tpu.memory_space<vmem>>
      %dma_wait3A_64 = tpu.memref_slice %arg2[%add3A_4] : memref<8192xi32, #tpu.memory_space<hbm>> -> memref<128xi32, #tpu.memory_space<hbm>>
      %dma_wait3A_65 = arith.constant 0 : i32
      %dma_wait3A_66 = tpu.memref_slice %arg6[%run_scoped3A_5, %dma_wait3A_65] : memref<2x128xi32, #tpu.memory_space<vmem>> -> memref<1x128xi32, #tpu.memory_space<vmem>>
      %dma_wait3A_67 = tpu.memref_squeeze %dma_wait3A_66 : memref<1x128xi32, #tpu.memory_space<vmem>> -> memref<128xi32, #tpu.memory_space<vmem>>
      %dma_wait3A_68 = tpu.memref_slice %arg2[%add3A_4] : memref<8192xi32, #tpu.memory_space<hbm>> -> memref<128xi32, #tpu.memory_space<hbm>>
      tpu.wait_dma2 semaphore(%run_scoped3A_52 : memref<!tpu.dma_semaphore, #tpu.memory_space<semaphore_mem>>) src(%dma_wait3A_68 : memref<128xi32, #tpu.memory_space<hbm>>) dst(%dma_wait3A_67 : memref<128xi32, #tpu.memory_space<vmem>>)
      tpu.yield
    }) : () -> ()
    %dma_start3A = arith.constant 0 : i32
    %dma_start3A_6 = arith.constant 0 : i32
    %dma_start3A_7 = arith.constant 0 : i32
    %dma_start3A_8 = tpu.memref_slice %arg7[%dma_start3A_6, %dma_start3A_7] : memref<256x64xf32, #tpu.memory_space<vmem>> -> memref<128x64xf32, #tpu.memory_space<vmem>>
    %dma_start3A_9 = arith.constant 0 : i32
    %dma_start3A_10 = tpu.memref_slice %arg6[%dma_start3A, %dma_start3A_9] : memref<2x128xi32, #tpu.memory_space<vmem>> -> memref<1x128xi32, #tpu.memory_space<vmem>>
    %dma_start3A_11 = tpu.memref_squeeze %dma_start3A_10 : memref<1x128xi32, #tpu.memory_space<vmem>> -> memref<128xi32, #tpu.memory_space<vmem>>
    %dma_start3A_12 = arith.constant 0 : i32
    %dma_start3A_13 = arith.constant 0 : i32
    %dma_start3A_14 = tpu.memref_slice %arg3[%dma_start3A_12, %dma_start3A_13] : memref<1000000x64xf32, #tpu.memory_space<hbm>> -> memref<1000000x64xf32, #tpu.memory_space<hbm>>
    tpu.enqueue_indirect_dma source(%dma_start3A_14 : memref<1000000x64xf32, #tpu.memory_space<hbm>>) target(%dma_start3A_8 : memref<128x64xf32, #tpu.memory_space<vmem>>) offsets(%dma_start3A_11 : memref<128xi32, #tpu.memory_space<vmem>>) semaphore(%arg9 : memref<!tpu.dma_semaphore, #tpu.memory_space<semaphore_mem>>)
    %dma_start3A_15 = arith.constant 1 : i32
    %dma_start3A_16 = arith.constant 128 : i32
    %dma_start3A_17 = arith.constant 0 : i32
    %dma_start3A_18 = tpu.memref_slice %arg7[%dma_start3A_16, %dma_start3A_17] : memref<256x64xf32, #tpu.memory_space<vmem>> -> memref<128x64xf32, #tpu.memory_space<vmem>>
    %dma_start3A_19 = arith.constant 0 : i32
    %dma_start3A_20 = tpu.memref_slice %arg6[%dma_start3A_15, %dma_start3A_19] : memref<2x128xi32, #tpu.memory_space<vmem>> -> memref<1x128xi32, #tpu.memory_space<vmem>>
    %dma_start3A_21 = tpu.memref_squeeze %dma_start3A_20 : memref<1x128xi32, #tpu.memory_space<vmem>> -> memref<128xi32, #tpu.memory_space<vmem>>
    %dma_start3A_22 = arith.constant 0 : i32
    %dma_start3A_23 = arith.constant 0 : i32
    %dma_start3A_24 = tpu.memref_slice %arg3[%dma_start3A_22, %dma_start3A_23] : memref<1000000x64xf32, #tpu.memory_space<hbm>> -> memref<1000000x64xf32, #tpu.memory_space<hbm>>
    tpu.enqueue_indirect_dma source(%dma_start3A_24 : memref<1000000x64xf32, #tpu.memory_space<hbm>>) target(%dma_start3A_18 : memref<128x64xf32, #tpu.memory_space<vmem>>) offsets(%dma_start3A_21 : memref<128xi32, #tpu.memory_space<vmem>>) semaphore(%arg9 : memref<!tpu.dma_semaphore, #tpu.memory_space<semaphore_mem>>)
    %sub3A = arith.constant 8192 : i32
    %sub3A_25 = arith.subi %sub3A, %mul3A_2 : i32
    %sub3A_26 = arith.constant 256 : i32
    %sub3A_27 = arith.subi %sub3A_25, %sub3A_26 : i32
    "tpu.region"() ({
      %run_scoped3A_52 = tpu.sem_alloc : memref<!tpu.dma_semaphore, #tpu.memory_space<semaphore_mem>>
      %dma_start3A_53 = arith.constant 0 : i32
      %dma_start3A_54 = tpu.memref_slice %arg4[%sub3A_27, %dma_start3A_53] : memref<8192x64xf32, #tpu.memory_space<hbm>> -> memref<256x64xf32, #tpu.memory_space<hbm>>
      %dma_start3A_55 = arith.constant 0 : i32
      %dma_start3A_56 = tpu.memref_slice %arg4[%sub3A_27, %dma_start3A_55] : memref<8192x64xf32, #tpu.memory_space<hbm>> -> memref<256x64xf32, #tpu.memory_space<hbm>>
      tpu.enqueue_dma source(%dma_start3A_56 : memref<256x64xf32, #tpu.memory_space<hbm>>) target(%arg8 : memref<256x64xf32, #tpu.memory_space<vmem>>) target_semaphore(%run_scoped3A_52 : memref<!tpu.dma_semaphore, #tpu.memory_space<semaphore_mem>>)
      %dma_wait3A_57 = arith.constant 0 : i32
      %dma_wait3A_58 = tpu.memref_slice %arg4[%sub3A_27, %dma_wait3A_57] : memref<8192x64xf32, #tpu.memory_space<hbm>> -> memref<256x64xf32, #tpu.memory_space<hbm>>
      %dma_wait3A_59 = arith.constant 0 : i32
      %dma_wait3A_60 = tpu.memref_slice %arg4[%sub3A_27, %dma_wait3A_59] : memref<8192x64xf32, #tpu.memory_space<hbm>> -> memref<256x64xf32, #tpu.memory_space<hbm>>
      tpu.wait_dma2 semaphore(%run_scoped3A_52 : memref<!tpu.dma_semaphore, #tpu.memory_space<semaphore_mem>>) src(%dma_wait3A_60 : memref<256x64xf32, #tpu.memory_space<hbm>>) dst(%arg8 : memref<256x64xf32, #tpu.memory_space<vmem>>)
      tpu.yield
    }) : () -> ()
    %dma_wait3A = arith.constant 0 : i32
    %dma_wait3A_28 = arith.constant 0 : i32
    %dma_wait3A_29 = arith.constant 0 : i32
    %dma_wait3A_30 = tpu.memref_slice %arg7[%dma_wait3A_28, %dma_wait3A_29] : memref<256x64xf32, #tpu.memory_space<vmem>> -> memref<128x64xf32, #tpu.memory_space<vmem>>
    %dma_wait3A_31 = arith.constant 0 : i32
    %dma_wait3A_32 = tpu.memref_slice %arg6[%dma_wait3A, %dma_wait3A_31] : memref<2x128xi32, #tpu.memory_space<vmem>> -> memref<1x128xi32, #tpu.memory_space<vmem>>
    %dma_wait3A_33 = tpu.memref_squeeze %dma_wait3A_32 : memref<1x128xi32, #tpu.memory_space<vmem>> -> memref<128xi32, #tpu.memory_space<vmem>>
    %dma_wait3A_34 = arith.constant 0 : i32
    %dma_wait3A_35 = arith.constant 0 : i32
    %dma_wait3A_36 = tpu.memref_slice %arg3[%dma_wait3A_34, %dma_wait3A_35] : memref<1000000x64xf32, #tpu.memory_space<hbm>> -> memref<1000000x64xf32, #tpu.memory_space<hbm>>
    tpu.wait_indirect_dma semaphore(%arg9 : memref<!tpu.dma_semaphore, #tpu.memory_space<semaphore_mem>>) src(%dma_wait3A_36 : memref<1000000x64xf32, #tpu.memory_space<hbm>>) dst(%dma_wait3A_30 : memref<128x64xf32, #tpu.memory_space<vmem>>)
    %dma_wait3A_37 = arith.constant 1 : i32
    %dma_wait3A_38 = arith.constant 128 : i32
    %dma_wait3A_39 = arith.constant 0 : i32
    %dma_wait3A_40 = tpu.memref_slice %arg7[%dma_wait3A_38, %dma_wait3A_39] : memref<256x64xf32, #tpu.memory_space<vmem>> -> memref<128x64xf32, #tpu.memory_space<vmem>>
    %dma_wait3A_41 = arith.constant 0 : i32
    %dma_wait3A_42 = tpu.memref_slice %arg6[%dma_wait3A_37, %dma_wait3A_41] : memref<2x128xi32, #tpu.memory_space<vmem>> -> memref<1x128xi32, #tpu.memory_space<vmem>>
    %dma_wait3A_43 = tpu.memref_squeeze %dma_wait3A_42 : memref<1x128xi32, #tpu.memory_space<vmem>> -> memref<128xi32, #tpu.memory_space<vmem>>
    %dma_wait3A_44 = arith.constant 0 : i32
    %dma_wait3A_45 = arith.constant 0 : i32
    %dma_wait3A_46 = tpu.memref_slice %arg3[%dma_wait3A_44, %dma_wait3A_45] : memref<1000000x64xf32, #tpu.memory_space<hbm>> -> memref<1000000x64xf32, #tpu.memory_space<hbm>>
    tpu.wait_indirect_dma semaphore(%arg9 : memref<!tpu.dma_semaphore, #tpu.memory_space<semaphore_mem>>) src(%dma_wait3A_46 : memref<1000000x64xf32, #tpu.memory_space<hbm>>) dst(%dma_wait3A_40 : memref<128x64xf32, #tpu.memory_space<vmem>>)
    %scan3A = arith.constant 0 : i32
    %scan3A_47 = arith.constant 0 : i32
    %scan3A_48 = arith.constant 256 : i32
    %scan3A_49 = arith.addi %scan3A_47, %scan3A_48 : i32
    %scan3A_50 = arith.constant 1 : i32
    scf.for %scan3A_52 = %scan3A_47 to %scan3A_49 step %scan3A_50  : i32 {
      %sub3A_53 = arith.constant 255 : i32
      %sub3A_54 = arith.subi %sub3A_53, %scan3A_52 : i32
      %get3A = arith.index_cast %scan3A_52 : i32 to index
      %get3A_55 = arith.constant 0 : index
      %get3A_56 = tpu.vector_load %arg7[%get3A, %get3A_55] {strides = array<i32>} : memref<256x64xf32, #tpu.memory_space<vmem>>, vector<1x16xf32>,
      %get3A_57 = vector.shape_cast %get3A_56 : vector<1x16xf32> to vector<16xf32>
      %get3A_58 = arith.index_cast %sub3A_54 : i32 to index
      %get3A_59 = arith.constant 0 : index
      %get3A_60 = tpu.vector_load %arg8[%get3A_58, %get3A_59] {strides = array<i32>} : memref<256x64xf32, #tpu.memory_space<vmem>>, vector<1x16xf32>,
      %get3A_61 = vector.shape_cast %get3A_60 : vector<1x16xf32> to vector<16xf32>
      %add3A_62 = arith.addf %get3A_57, %get3A_61 : vector<16xf32>
      %swap3A = arith.index_cast %scan3A_52 : i32 to index
      %swap3A_63 = arith.constant 0 : index
      %swap3A_64 = tpu.vector_load %arg7[%swap3A, %swap3A_63] {strides = array<i32>} : memref<256x64xf32, #tpu.memory_space<vmem>>, vector<1x16xf32>,
      %swap3A_65 = vector.shape_cast %swap3A_64 : vector<1x16xf32> to vector<16xf32>
      %swap3A_66 = vector.shape_cast %add3A_62 : vector<16xf32> to vector<1x16xf32>
      tpu.vector_store %arg7[%swap3A, %swap3A_63], %swap3A_66 {strides = array<i32>} : memref<256x64xf32, #tpu.memory_space<vmem>>, vector<1x16xf32>,
      %get3A_67 = arith.index_cast %scan3A_52 : i32 to index
      %get3A_68 = arith.constant 16 : index
      %get3A_69 = tpu.vector_load %arg7[%get3A_67, %get3A_68] {strides = array<i32>} : memref<256x64xf32, #tpu.memory_space<vmem>>, vector<1x16xf32>,
      %get3A_70 = vector.shape_cast %get3A_69 : vector<1x16xf32> to vector<16xf32>
      %get3A_71 = arith.index_cast %sub3A_54 : i32 to index
      %get3A_72 = arith.constant 16 : index
      %get3A_73 = tpu.vector_load %arg8[%get3A_71, %get3A_72] {strides = array<i32>} : memref<256x64xf32, #tpu.memory_space<vmem>>, vector<1x16xf32>,
      %get3A_74 = vector.shape_cast %get3A_73 : vector<1x16xf32> to vector<16xf32>
      %add3A_75 = arith.addf %get3A_70, %get3A_74 : vector<16xf32>
      %swap3A_76 = arith.index_cast %scan3A_52 : i32 to index
      %swap3A_77 = arith.constant 16 : index
      %swap3A_78 = tpu.vector_load %arg7[%swap3A_76, %swap3A_77] {strides = array<i32>} : memref<256x64xf32, #tpu.memory_space<vmem>>, vector<1x16xf32>,
      %swap3A_79 = vector.shape_cast %swap3A_78 : vector<1x16xf32> to vector<16xf32>
      %swap3A_80 = vector.shape_cast %add3A_75 : vector<16xf32> to vector<1x16xf32>
      tpu.vector_store %arg7[%swap3A_76, %swap3A_77], %swap3A_80 {strides = array<i32>} : memref<256x64xf32, #tpu.memory_space<vmem>>, vector<1x16xf32>,
      %get3A_81 = arith.index_cast %scan3A_52 : i32 to index
      %get3A_82 = arith.constant 32 : index
      %get3A_83 = tpu.vector_load %arg7[%get3A_81, %get3A_82] {strides = array<i32>} : memref<256x64xf32, #tpu.memory_space<vmem>>, vector<1x16xf32>,
      %get3A_84 = vector.shape_cast %get3A_83 : vector<1x16xf32> to vector<16xf32>
      %get3A_85 = arith.index_cast %sub3A_54 : i32 to index
      %get3A_86 = arith.constant 32 : index
      %get3A_87 = tpu.vector_load %arg8[%get3A_85, %get3A_86] {strides = array<i32>} : memref<256x64xf32, #tpu.memory_space<vmem>>, vector<1x16xf32>,
      %get3A_88 = vector.shape_cast %get3A_87 : vector<1x16xf32> to vector<16xf32>
      %add3A_89 = arith.addf %get3A_84, %get3A_88 : vector<16xf32>
      %swap3A_90 = arith.index_cast %scan3A_52 : i32 to index
      %swap3A_91 = arith.constant 32 : index
      %swap3A_92 = tpu.vector_load %arg7[%swap3A_90, %swap3A_91] {strides = array<i32>} : memref<256x64xf32, #tpu.memory_space<vmem>>, vector<1x16xf32>,
      %swap3A_93 = vector.shape_cast %swap3A_92 : vector<1x16xf32> to vector<16xf32>
      %swap3A_94 = vector.shape_cast %add3A_89 : vector<16xf32> to vector<1x16xf32>
      tpu.vector_store %arg7[%swap3A_90, %swap3A_91], %swap3A_94 {strides = array<i32>} : memref<256x64xf32, #tpu.memory_space<vmem>>, vector<1x16xf32>,
      %get3A_95 = arith.index_cast %scan3A_52 : i32 to index
      %get3A_96 = arith.constant 48 : index
      %get3A_97 = tpu.vector_load %arg7[%get3A_95, %get3A_96] {strides = array<i32>} : memref<256x64xf32, #tpu.memory_space<vmem>>, vector<1x16xf32>,
      %get3A_98 = vector.shape_cast %get3A_97 : vector<1x16xf32> to vector<16xf32>
      %get3A_99 = arith.index_cast %sub3A_54 : i32 to index
      %get3A_100 = arith.constant 48 : index
      %get3A_101 = tpu.vector_load %arg8[%get3A_99, %get3A_100] {strides = array<i32>} : memref<256x64xf32, #tpu.memory_space<vmem>>, vector<1x16xf32>,
      %get3A_102 = vector.shape_cast %get3A_101 : vector<1x16xf32> to vector<16xf32>
      %add3A_103 = arith.addf %get3A_98, %get3A_102 : vector<16xf32>
      %swap3A_104 = arith.index_cast %scan3A_52 : i32 to index
      %swap3A_105 = arith.constant 48 : index
      %swap3A_106 = tpu.vector_load %arg7[%swap3A_104, %swap3A_105] {strides = array<i32>} : memref<256x64xf32, #tpu.memory_space<vmem>>, vector<1x16xf32>,
      %swap3A_107 = vector.shape_cast %swap3A_106 : vector<1x16xf32> to vector<16xf32>
      %swap3A_108 = vector.shape_cast %add3A_103 : vector<16xf32> to vector<1x16xf32>
      tpu.vector_store %arg7[%swap3A_104, %swap3A_105], %swap3A_108 {strides = array<i32>} : memref<256x64xf32, #tpu.memory_space<vmem>>, vector<1x16xf32>,
    }
    %scan3A_51 = arith.constant 256 : i32
    "tpu.region"() ({
      %run_scoped3A_52 = tpu.sem_alloc : memref<!tpu.dma_semaphore, #tpu.memory_space<semaphore_mem>>
      %dma_start3A_53 = arith.constant 0 : i32
      %dma_start3A_54 = tpu.memref_slice %arg5[%mul3A_2, %dma_start3A_53] : memref<8192x64xf32, #tpu.memory_space<hbm>> -> memref<256x64xf32, #tpu.memory_space<hbm>>
      %dma_start3A_55 = arith.constant 0 : i32
      %dma_start3A_56 = tpu.memref_slice %arg5[%mul3A_2, %dma_start3A_55] : memref<8192x64xf32, #tpu.memory_space<hbm>> -> memref<256x64xf32, #tpu.memory_space<hbm>>
      tpu.enqueue_dma source(%arg7 : memref<256x64xf32, #tpu.memory_space<vmem>>) target(%dma_start3A_56 : memref<256x64xf32, #tpu.memory_space<hbm>>) target_semaphore(%run_scoped3A_52 : memref<!tpu.dma_semaphore, #tpu.memory_space<semaphore_mem>>)
      %dma_wait3A_57 = arith.constant 0 : i32
      %dma_wait3A_58 = tpu.memref_slice %arg5[%mul3A_2, %dma_wait3A_57] : memref<8192x64xf32, #tpu.memory_space<hbm>> -> memref<256x64xf32, #tpu.memory_space<hbm>>
      %dma_wait3A_59 = arith.constant 0 : i32
      %dma_wait3A_60 = tpu.memref_slice %arg5[%mul3A_2, %dma_wait3A_59] : memref<8192x64xf32, #tpu.memory_space<hbm>> -> memref<256x64xf32, #tpu.memory_space<hbm>>
      tpu.wait_dma2 semaphore(%run_scoped3A_52 : memref<!tpu.dma_semaphore, #tpu.memory_space<semaphore_mem>>) src(%arg7 : memref<256x64xf32, #tpu.memory_space<vmem>>) dst(%dma_wait3A_60 : memref<256x64xf32, #tpu.memory_space<hbm>>)
      tpu.yield
    }) : () -> ()
    return
  }
}

</mosaic_0001>

<sc_bundles>
// kernel: kernel.3.cloned.1.call-start
scs
__scs_entry_jumppad:
0x0: {  	(pc) =	sbr.rel $0x88, $3  }
0x1: {  	(tag) =	ssettag $0x0;
	lr =	simm.s32 $0x1  }
0x2: {  	[smem:$0x3F9E] =	sst lr;
	_ =	strace $0xD0000000  }
0x3: {  	_ = 	snop  }
0x4: {  	_ = 	snop  }
0x5: {  	_ = 	snop  }
0x6: {  	_ = 	snop  }
0x7: {  	_ = 	snop  }
__scs_overlays_trampoline_lowered:
0x8: {  	[smem:$0x3FAD] =	sst s0  }
0x9: {  	[smem:$0x3FAE] =	sst s1  }
0xa: {  	[smem:$0x3FAF] =	sst s2  }
0xb: {  	[smem:$0x3FB0] =	sst s3  }
0xc: {  	[smem:$0x3FB1] =	sst s4  }
0xd: {  	[smem:$0x3FB2] =	sst s5  }
0xe: {  	[smem:$0x3FB3] =	sst s6  }
0xf: {  	[smem:$0x3FB4] =	sst s7  }
0x10: {  	[smem:$0x3FB5] =	sst s8  }
0x11: {  	[smem:$0x3FB6] =	sst s9;
	s0 =	simm.s32 @!p0 $0x0  }
0x12: {  	s1 =	sld [smem:$0x3F9C];
	s0 =	simm.s32 @p0 $0x1  }
0x13: {  	[smem:$0x3FB7] =	sst s0;
	s0 =	simm.s32 @!p1 $0x0  }
0x14: {  	s2 =	sld [smem:$0x3F9B];
	s0 =	simm.s32 @p1 $0x1  }
0x15: {  	[smem:$0x3FB8] =	sst s0;
	s0 =	simm.s32 @!p2 $0x0  }
0x16: {  	s3 =	sld [smem:$0x3FDB];
	s0 =	simm.s32 @p2 $0x1  }
0x17: {  	s4 =	simm.s32 $0x1BF5;
	[smem:$0x3FBA] =	sst s0  }
0x18: {  	s0 =	sld [smem:$0x3F9D];
	_ =	swait.ge [sflag:s4], $0x0  }
0x19: {  	s7 =	sld [smem:$0x3F9E]  }
0x1a: {  	s8 =	sadd.s32 $0xFFFFE003, lr  }
0x1b: {  	s9 =	sadd.s32 $0xFFFFFEF7, lr;
	s5 =	simm.s32 $0xFFFFFFFF;
	p2 =	slt.u32 s8, $0xFFFFF086  }
0x1c: {  	p1 =	slt.u32 s9, $0xF7A;
	s5 =	simm.s32 @!p2 $0x0  }
0x1d: {  	s5 =	simm.s32 @p1 $0x1;
	p0 =	seq.s32 s7, s2  }
0x1e: {  	s7 =	smul.u32 @!p0 $0xF7A, s2;
	p2 =	seq.s32 @!p0 s5, $0x0  }
0x1f: {  	s9 =	smul.u32 $0xF7A, s1;
	s8 =	simm.s32 @!p0 $0x1BF5;
	p2 =	por !p2, p0  }
0x20: {  	[sflag:s8] =	ssyncset.s32 @!p0 $0xFFFFF086;
	s6 =	sadd.s32 @!p0 s3, s7;
	s7 =	simm.s32 @!p0 $0x108  }
0x21: {  	s3 =	sadd.s32 s3, s9;
	s6 =	sadd.s32 @!p0 $0x88, s6;
	s7 =	simm.s32 @p2 $0x1082  }
0x22: {  	[simem:s7], [sflag:s8] =	dma.local @!p0 [hbm:s6], $0xF7A  }
0x23: {  	s9 =	sor.u32 $0xD0000000, s2;
	s6 =	simm.s32 $0x108;
	_ =	swait.ge @!p0 [sflag:s8], $0x0  }
0x24: {  	s3 =	sadd.s32 $0x88, s3;
	s6 =	simm.s32 @!p1 $0x1082;
	[sflag:s4] =	ssyncset.s32 $0xFFFFF086  }
0x25: {  	[simem:s6], [sflag:s4] =	dma.local [hbm:s3], $0xF7A  }
0x26: {  	[smem:$0x3F9E] =	sst s1;
	(tag) =	ssettag s2;
	_ =	strace s9  }
0x27: {  	s1 =	sld [smem:$0x3FAE]  }
0x28: {  	s2 =	sld [smem:$0x3FAF]  }
0x29: {  	s4 =	sld [smem:$0x3FB1]  }
0x2a: {  	p0 =	seq.s32 s5, $0x0;
	s5 =	sld [smem:$0x3FB2]  }
0x2b: {  	s6 =	sld [smem:$0x3FB3]  }
0x2c: {  	s7 =	sld [smem:$0x3FB4]  }
0x2d: {  	s3 =	simm.s32 $0x108;
	s8 =	sld [smem:$0x3FB5]  }
0x2e: {  	s3 =	simm.s32 @!p0 $0x1082;
	s9 =	sld [smem:$0x3FB6]  }
0x2f: {  	lr =	sadd.s32 s0, s3;
	s0 =	sld [smem:$0x3FAD]  }
0x30: {  	s3 =	sld [smem:$0x3FB0]  }
0x31: {  	[smem:$0x3FB9] =	sst s10  }
0x32: {  	s10 =	sld [smem:$0x3FB7];
	_ =	sdelay $0x3  }
0x33: {  	p0 =	seq.s32 s10, $0x1;
	s10 =	sld [smem:$0x3FB9];
	_ =	sdelay $0x3  }
0x34: {  	[smem:$0x3FB9] =	sst s10  }
0x35: {  	s10 =	sld [smem:$0x3FB8];
	_ =	sdelay $0x3  }
0x36: {  	p1 =	seq.s32 s10, $0x1;
	s10 =	sld [smem:$0x3FB9];
	_ =	sdelay $0x3  }
0x37: {  	[smem:$0x3FB9] =	sst s10  }
0x38: {  	s10 =	sld [smem:$0x3FBA]  }
0x39: {  	_ = 	snop;
	(pc) =	sbr.ind lr, $3  }
0x3a: {  	_ = 	snop  }
0x3b: {  	_ = 	snop  }
0x3c: {  	p2 =	seq.s32 s10, $0x1;
	s10 =	sld [smem:$0x3FB9]  }
0x3d: {  	_ =	shalt  }
0x3e: {  	_ =	shalt  }
0x3f: {  	_ =	shalt  }
0x40: {  	_ =	shalt  }
0x41: {  	_ =	shalt  }
0x42: {  	_ =	shalt  }
0x43: {  	_ =	shalt  }
0x44: {  	_ =	shalt  }
0x45: {  	_ =	shalt  }
0x46: {  	_ =	shalt  }
0x47: {  	_ =	shalt  }
0x48: {  	_ =	shalt  }
0x49: {  	_ =	shalt  }
0x4a: {  	_ =	shalt  }
0x4b: {  	_ =	shalt  }
0x4c: {  	_ =	shalt  }
0x4d: {  	_ =	shalt  }
0x4e: {  	_ =	shalt  }
0x4f: {  	_ =	shalt  }
0x50: {  	_ =	shalt  }
0x51: {  	_ =	shalt  }
0x52: {  	_ =	shalt  }
0x53: {  	_ =	shalt  }
0x54: {  	_ =	shalt  }
0x55: {  	_ =	shalt  }
0x56: {  	_ =	shalt  }
0x57: {  	_ =	shalt  }
0x58: {  	_ =	shalt  }
0x59: {  	_ =	shalt  }
0x5a: {  	_ =	shalt  }
0x5b: {  	_ =	shalt  }
0x5c: {  	_ =	shalt  }
0x5d: {  	_ =	shalt  }
0x5e: {  	_ =	shalt  }
0x5f: {  	_ =	shalt  }
0x60: {  	_ =	shalt  }
0x61: {  	_ =	shalt  }
0x62: {  	_ =	shalt  }
0x63: {  	_ =	shalt  }
0x64: {  	_ =	shalt  }
0x65: {  	_ =	shalt  }
0x66: {  	_ =	shalt  }
0x67: {  	_ =	shalt  }
0x68: {  	_ =	shalt  }
0x69: {  	_ =	shalt  }
0x6a: {  	_ =	shalt  }
0x6b: {  	_ =	shalt  }
0x6c: {  	_ =	shalt  }
0x6d: {  	_ =	shalt  }
0x6e: {  	_ =	shalt  }
0x6f: {  	_ =	shalt  }
0x70: {  	_ =	shalt  }
0x71: {  	_ =	shalt  }
0x72: {  	_ =	shalt  }
0x73: {  	_ =	shalt  }
0x74: {  	_ =	shalt  }
0x75: {  	_ =	shalt  }
0x76: {  	_ =	shalt  }
0x77: {  	_ =	shalt  }
0x78: {  	_ =	shalt  }
0x79: {  	_ =	shalt  }
0x7a: {  	_ =	shalt  }
0x7b: {  	_ =	shalt  }
0x7c: {  	_ =	shalt  }
0x7d: {  	_ =	shalt  }
0x7e: {  	_ =	shalt  }
0x7f: {  	_ =	shalt  }
0x80: {  	_ =	shalt  }
0x81: {  	_ =	shalt  }
0x82: {  	_ =	shalt  }
0x83: {  	_ =	shalt  }
0x84: {  	_ =	shalt  }
0x85: {  	_ =	shalt  }
0x86: {  	_ =	shalt  }
0x87: {  	_ =	shalt  }
.Lfunc_end0:
.L_simem_size_0:
called_computation_lowered:
.L_overlay_start_0:
0x88: {  	s2 =	sld [smem:$0x3FD9]  }
0x89: {  	s3 =	sld [smem:$0x3FFE];
	_ =	sdelay $0x1  }
0x8a: {  	s1 =	srdreg.scid  }
0x8b: {  	s0 =	sand.u32 $0x1, s1  }
0x8c: {  	s17 =	sshll.u32 s0, $0xA;
	s2 =	sadd.s32 s3, s2  }
0x8d: {  	s2 =	sadd.s32 s2, s17  }
0x8e: {  	[smem:$0x3FC5] =	sst s2  }
0x8f: {  	_ = 	snop  }
0x90: {  	s2 =	sld [smem:$0x3FC9]  }
0x91: {  	s18 =	sld [smem:$0x3FD0];
	(tm) =	ssettm $0x1  }
0x92: {  	s4 =	sld [smem:$0x3FFB];
	_ =	sdelay $0x3  }
0x93: {  	_ =	strace s4  }
0x94: {  	s4 =	sld [smem:$0x3FFC];
	_ =	sdelay $0x3  }
0x95: {  	_ =	strace s4  }
0x96: {  	s4 =	sld [smem:$0x3FFD];
	_ =	sdelay $0x3  }
0x97: {  	_ =	strace s4  }
0x98: {  	_ =	strace $0x8FFFFFFF  }
0x99: {  	s19 =	sld [smem:$0x3FDB];
	_ =	sdelay $0x1  }
0x9a: {  	s5 =	simm.s32 $_scs_section_size  }
0x9b: {  	s6 =	simm.s32 $_size__tile_overlayer_lowered;
	s7 =	simm.s32 $_tile_overlayer_lowered  }
0x9c: {  	s22 =	simm.s32 $0x1BFF;
	s21 =	sshll.u32 s7, $0x1;
	s4 =	sadd.s32 s5, s19  }
0x9d: {  	s8 =	simm.s32 $0x0;
	s20 =	sshll.u32 s6, $0x1;
	s6 =	sadd.s32 s21, s4  }
0x9e: {  	[timem:s8], [sflag:s22] =	dma.local [hbm:s6], s20  }
0x9f: {  	_ =	swait.ge [sflag:s22], s20  }
0xa0: {  	s5 =	ssub.s32 $0x0, s20;
	[sflag:s22] =	ssyncset.done $0x0  }
0xa1: {  	[sflag:s22] =	ssyncadd.s32 s5;
	_ =	sdelay $0x1  }
0xa2: {  	s23 =	simm.s32 $0x1B8B  }
0xa3: {  	_ =	swait.ge [sflag:s23], $0x1  }
0xa4: {  	[sflag:s23] =	ssyncset.done $0x0  }
0xa5: {  	s25 =	simm.s32 $0x1B8E;
	s24 =	sld [smem:$0x3FFE];
	[sflag:s23] =	ssyncadd.s32 $0xFFFFFFFF  }
0xa6: {  	s26 =	simm.s32 $execute0_lowered;
	[smem:$0x3FD2] =	sst s25  }
0xa7: {  	s6 =	sshll.u32 s26, $0x1;
	_ =	strace $0x80000046;
	[dreg:$0x1] =	wrdreg $0xFFFFFFFF  }
0xa8: {  	s28 =	simm.s32 $_size_execute0_lowered;
	s4 =	sadd.s32 s4, s6;
	[dreg:$0x0] =	wrdreg $0x0  }
0xa9: {  	s6 =	sshll.u32 s28, $0x1;
	[dreg:$0x2] =	wrdreg s4  }
0xaa: {  	[dreg:$0x3] =	wrdreg s6  }
0xab: {  	[dreg:$0x4] =	wrdreg $0xC0  }
0xac: {  	_ =	task [dreg:s8], $0x5FFFF  }
0xad: {  	[dreg:$0x1] =	wrdreg $0xFFFFFFFF  }
0xae: {  	[dreg:$0x0] =	wrdreg $0x60  }
0xaf: {  	[dreg:$0x2] =	wrdreg s2  }
0xb0: {  	[dreg:$0x3] =	wrdreg s24  }
0xb1: {  	[dreg:$0x4] =	wrdreg s18  }
0xb2: {  	[dreg:$0x5] =	wrdreg $0x9  }
0xb3: {  	_ =	task.clear_ibuf [dreg:s8], $0x6FFFF;
	_ =	strace $0x90000046  }
0xb4: {  	s29 =	simm.s32 $0x9;
	_ =	strace $0x80000048  }
0xb5: {  	_ =	swait.ge [sflag:s29], $0x1  }
0xb6: {  	[sflag:s29] =	ssyncadd.s32 $0xFFFFFFFF  }
0xb7: {  	_ =	strace $0x90000048  }
0xb8: {  	_ =	sfence  }
0xb9: {  	s30 =	sld [smem:$0x0];
	_ =	sdelay $0x2  }
0xba: {  	s31 =	sshll.u32 s1, $0xD;
	s1 =	sshrl.u32 s1, $0x2  }
0xbb: {  	s3 =	sand.u32 $0x4000, s31;
	s1 =	sadd.s32 s1, s30  }
0xbc: {  	s0 =	sor.u32 s3, s0;
	s1 =	sshll.u32 s1, $0x11  }
0xbd: {  	s0 =	sor.u32 s1, s0  }
0xbe: {  	s0 =	sadd.s32 $0x8F2B, s0  }
0xbf: {  	[sflag:s0] =	ssyncadd.remote.s32 $0x1  }
0xc0: {  	_ =	sfence.sel $0xFFFF  }
0xc1: {  	[dreg:$0x0] =	wrdreg $0xFFFFFFFF;
	(pc) =	sbr.abs _section_cstart, $3  }
0xc2: {  	[dreg:$0x1] =	wrdreg $0xFFFFFFFF  }
0xc3: {  	_ =	task.clear_ibuf [dreg:s8], $0x2FFFF;
	_ =	strace $0x9FFFFFFF  }
0xc4: {  	(tm) =	ssettm $0x7FFFFFFF  }
0xc5: {  	_ =	shalt  }
tec
execute0_lowered:
.L_overlay_start_1:
0x0: {  	(tag) =	ssettag $0x1  }
0x1: {  	s4 =	rddreg [dreg:$0x0]  }
0x2: {  	s5 =	rddreg [dreg:$0x1]  }
0x3: {  	s6 =	rddreg [dreg:$0x2];
	s2 =	srdreg.scid  }
0x4: {  	s0 =	rddreg [dreg:$0x3];
	s1 =	stileid.u32  }
0x5: {  	s11 =	simm.s32 $0x100;
	s12 =	simm.s32 $0x2100;
	s13 =	simm.s32 $0x4100  }
0x6: {  	s14 =	simm.s32 $0x1;
	s15 =	simm.s32 $0x0;
	s7 =	sand.u32 $0x1, s2  }
0x7: {  	s2 =	simm.s32 $0x0;
	s3 =	sshll.u32 s1, $0x9;
	s8 =	sshll.u32 s7, $0x8  }
0x8: {  	[smem:$0x7FF] =	sst s2;
	s28 =	ssub.s32 $0x2, s7;
	s8 =	sor.u32 s8, s3  }
0x9: {  	_ =	strace $0x80000047;
	s3 =	sadd.s32 $0xF42A00, s5;
	s30 =	sshrl.u32 s28, $0x1  }
0xa: {  	s9 =	sshll.u32 s8, $0x3;
	s29 =	sshrl.u32 s8, $0x3;
	s8 =	ssub.s32 s28, s30  }
0xb: {  	s10 =	sadd.s32 s9, s5;
	s4 =	sadd.s32 s4, s29;
	s31 =	sxor.u32 $0xF800, s9  }
0xc: {  	s8 =	smax.u32 s8, $0x1;
	s9 =	simm.s32 $0x2;
	s5 =	sadd.s32 $0x10, s4  }
0xd: {  	s6 =	sadd.s32 s6, s31;
	s7 =	sadd.s32 $0x600, s10;
	s10 =	simm.s32 $0x80  }
.LBB2_1:
0xe: {  	[tilespmem:s2], [sflag:$0x2] =	stream.linear.gather [hbm4b:s4+s2], $0x80, $0x38;
	[tilespmem:$0x8100] =	vst v63  }
0xf: {  	_ =	swait.ge [sflag:s9], $0x80  }
0x10: {  	[sflag:s9] =	ssyncset.done $0x0  }
0x11: {  	[sflag:s9] =	ssyncadd.s32 $0xFFFFFF80  }
0x12: {  	[tilespmem:s10], [sflag:$0x2] =	stream.linear.gather [hbm4b:s5+s2], $0x80, $0x38;
	[tilespmem:$0x8100] =	vst v63  }
0x13: {  	_ =	swait.ge [sflag:s9], $0x80  }
0x14: {  	[sflag:s9] =	ssyncset.done $0x0  }
0x15: {  	[sflag:s9] =	ssyncadd.s32 $0xFFFFFF80  }
0x16: {  	[tilespmem:s11], [sflag:$0x1] =	stream.indirect.gather [hbm4b:s3+s10], $0x40, s2, s10, $0xb8;
	[tilespmem:$0x8100] =	vst v63  }
0x17: {  	_ = 	snop  }
0x18: {  	[tilespmem:s12], [sflag:$0x1] =	stream.indirect.gather [hbm4b:s3+s10], $0x40, s10, s10, $0xb8;
	[tilespmem:$0x8100] =	vst v63  }
0x19: {  	_ = 	snop  }
0x1a: {  	[tilespmem:s13], [sflag:$0x2] =	stream.linear.gather [hbm4b:s6+s2], $0x4000, $0x38;
	[tilespmem:$0x8100] =	vst v63  }
0x1b: {  	_ =	swait.ge [sflag:s9], $0x4000  }
0x1c: {  	[sflag:s9] =	ssyncset.done $0x0  }
0x1d: {  	[sflag:s9] =	ssyncadd.s32 $0xFFFFC000  }
0x1e: {  	_ =	swait.ge [sflag:s14], $0x2000  }
0x1f: {  	[sflag:s14] =	ssyncset.done $0x0  }
0x20: {  	[sflag:s14] =	ssyncadd.s32 $0xFFFFE000  }
0x21: {  	_ =	swait.ge [sflag:s14], $0x2000  }
0x22: {  	[sflag:s14] =	ssyncset.done $0x0  }
0x23: {  	s16 =	simm.s32 $0x120;
	[sflag:s14] =	ssyncadd.s32 $0xFFFFE000  }
0x24: {  	s18 =	simm.s32 $0x0;
	s19 =	simm.s32 $0xFFFFFF00;
	s17 =	simm.s32 $0x120;
	v0 =	vld [tilespmem:s16+$0xFFFFFFE0]  }
.LBB2_2:
0x25: {  	p0 =	sne.s32 s19, $0xFFFF0100;
	v1 =	vld [tilespmem:s18+$0x80C0];
	_ =	sdelay $0x4  }
0x26: {  	v0 =	vadd.f32 v1, v0;
	_ =	sdelay $0x1  }
0x27: {  	[tilespmem:s16+$0xFFFFFFE0] =	vst v0;
	v0 =	vld [tilespmem:s16+$0xFFFFFFF0]  }
0x28: {  	v1 =	vld [tilespmem:s18+$0x80D0];
	_ =	sdelay $0x4  }
0x29: {  	v0 =	vadd.f32 v1, v0;
	_ =	sdelay $0x1  }
0x2a: {  	[tilespmem:s16+$0xFFFFFFF0] =	vst v0;
	v0 =	vld [tilespmem:s16+$0x0]  }
0x2b: {  	v1 =	vld [tilespmem:s18+$0x80E0];
	_ =	sdelay $0x4  }
0x2c: {  	v0 =	vadd.f32 v1, v0;
	_ =	sdelay $0x1  }
0x2d: {  	[tilespmem:s16+$0x0] =	vst v0;
	v0 =	vld [tilespmem:s16+$0x10]  }
0x2e: {  	v1 =	vld [tilespmem:s18+$0x80F0];
	_ =	sdelay $0x2  }
.Ltmp0:
0x2f: {  	(pc) =	sbr.rel @p0 .LBB2_2-.Ltmp0, $4  }
0x30: {  	_ = 	snop  }
0x31: {  	v1 =	vadd.f32 v1, v0  }
0x32: {  	s16 =	sadd.s32 $0x40, s16  }
0x33: {  	s18 =	sshra.s32 s19, $0x2;
	s19 =	sadd.s32 $0xFFFFFF00, s19;
	v0 =	vld [tilespmem:s16+$0xFFFFFFE0];
	[tilespmem:s17+$0x10] =	vst v1;
	s17 =	smov.u32 s16  }
0x34: {  	v1 =	vld [tilespmem:s18+$0x80C0];
	_ =	sdelay $0x4  }
0x35: {  	v0 =	vadd.f32 v1, v0;
	_ =	sdelay $0x1  }
0x36: {  	v58 =	vld [tilespmem:s16+$0xFFFFFFF0];
	[tilespmem:s16+$0xFFFFFFE0] =	vst v0  }
0x37: {  	v59 =	vld [tilespmem:s18+$0x80D0];
	_ =	sdelay $0x4  }
0x38: {  	v0 =	vadd.f32 v59, v58;
	_ =	sdelay $0x1  }
0x39: {  	v60 =	vld [tilespmem:s16+$0x0];
	[tilespmem:s16+$0xFFFFFFF0] =	vst v0  }
0x3a: {  	v61 =	vld [tilespmem:s18+$0x80E0];
	_ =	sdelay $0x4  }
0x3b: {  	v0 =	vadd.f32 v61, v60;
	_ =	sdelay $0x1  }
0x3c: {  	v62 =	vld [tilespmem:s16+$0x10];
	[tilespmem:s16+$0x0] =	vst v0  }
0x3d: {  	v63 =	vld [tilespmem:s18+$0x80F0];
	_ =	sdelay $0x4  }
0x3e: {  	s15 =	sadd.s32 $0x1, s15;
	v0 =	vadd.f32 v63, v62  }
0x3f: {  	p0 =	sne.s32 s15, s8  }
.Ltmp1:
0x40: {  	[tilespmem:s17+$0x10] =	vst v0;
	(pc) =	sbr.rel @p0 .LBB2_1-.Ltmp1, $4  }
0x41: {  	[hbm4b:s7+s2] =	stream.linear.scatter [tilespmem:s11], [sflag:$0x2], $0x4000, $0x38;
	[tilespmem:$0x8100] =	vst v63  }
0x42: {  	_ =	swait.ge [sflag:s9], $0x4000  }
0x43: {  	[sflag:s9] =	ssyncset.done $0x0  }
0x44: {  	[sflag:s9] =	ssyncadd.s32 $0xFFFFC000  }
0x45: {  	_ =	sfence.sel $0x180000  }
0x46: {  	[bflag:$0x0] =	sbarrier.arrive $0xFFFF  }
0x47: {  	p0 =	sne.s32 s1, $0x0;
	_ =	strace $0x90000047  }
0x48: {  	s0 =	sadd.s32 @!p0 $0x100000, s0;
	[bflag:$0x2] =	sbarrier.arrive $0xFFFF  }
0x49: {  	[sflag:s0] =	ssyncadd.tile.s32 @!p0 $0x1;
	_ =	shalt  }
.Lfunc_end2:
_tile_overlayer_lowered:
.L_overlay_start_2:
0x4a: {  	(tag) =	ssettag $0x2  }
0x4b: {  	s0 =	rddreg [dreg:$0x0];
	s2 =	stileid.u32  }
0x4c: {  	s1 =	rddreg [dreg:$0x1];
	p0 =	sne.s32 s2, $0x0  }
0x4d: {  	s3 =	rddreg [dreg:$0x2];
	[bflag:$0x3] =	sbarrier.arrive $0xFFFF;
	s2 =	simm.s32 @!p0 $0x1C02  }
0x4e: {  	[timem:s3], [sflag:s2] =	dma.local @!p0 [hbm:s0], s1  }
0x4f: {  	s0 =	simm.s32 @!p0 $0x2  }
0x50: {  	_ =	swait.ge @!p0 [sflag:s0], s1  }
0x51: {  	s1 =	ssub.s32 @!p0 $0x0, s1;
	[sflag:s0] =	ssyncset.done @!p0 $0x0  }
0x52: {  	[sflag:s0] =	ssyncadd.s32 @!p0 s1  }
0x53: {  	[bflag:$0x3] =	sbarrier.arrive $0xFFFF  }
0x54: {  	_ =	shalt  }

</sc_bundles>
